<compile_context>
chip_gen: v7x
topology: tpu7x:2x2x1
jax: 0.10.2.dev20260603
libtpu: 0.0.44.dev20260713+nightly
codegen_flags: <defaults>
</compile_context>

<pallas_src>
import functools

import jax
import jax.numpy as jnp
from jax import lax
from jax.experimental import pallas as pl
from jax.experimental.pallas import tpu as pltpu
from jax.experimental.pallas import tpu_sc as plsc

MEM_DIM = 128
N_ID = 16384

_NC = 2
_NS = 16
_NW = _NC * _NS
_B_PER_W = N_ID // _NW
_CHUNK = 128
_N_CHUNKS = _B_PER_W // _CHUNK


def _sc_gather_body(n_id_hbm, mem_hbm, lu_hbm, h_out, lu_out,
                    idx_v, rows_v, lu_v, sem, sem_lu):
    wid = lax.axis_index("s") * _NC + lax.axis_index("c")
    base = wid * _B_PER_W
    pltpu.sync_copy(n_id_hbm.at[pl.ds(base, _B_PER_W)], idx_v)
    row_cps = []
    lu_cps = []
    for c in range(_N_CHUNKS):
        idx_c = idx_v.at[pl.ds(c * _CHUNK, _CHUNK)]
        row_cps.append(pltpu.async_copy(
            mem_hbm.at[idx_c], rows_v.at[pl.ds(c * _CHUNK, _CHUNK)], sem))
        lu_cps.append(pltpu.async_copy(
            lu_hbm.at[idx_c], lu_v.at[pl.ds(c * _CHUNK, _CHUNK)], sem_lu))
    for cp in row_cps:
        cp.wait()
    pltpu.sync_copy(rows_v, h_out.at[pl.ds(base, _B_PER_W)])
    for cp in lu_cps:
        cp.wait()
    pltpu.sync_copy(lu_v, lu_out.at[pl.ds(base, _B_PER_W)])


_sc_gather = functools.partial(
    pl.kernel,
    mesh=plsc.VectorSubcoreMesh(core_axis_name="c", subcore_axis_name="s"),
    out_type=[
        jax.ShapeDtypeStruct((N_ID, MEM_DIM), jnp.float32),
        jax.ShapeDtypeStruct((N_ID,), jnp.int32),
    ],
    scratch_types=[
        pltpu.VMEM((_B_PER_W,), jnp.int32),
        pltpu.VMEM((_B_PER_W, MEM_DIM), jnp.float32),
        pltpu.VMEM((_B_PER_W,), jnp.int32),
        pltpu.SemaphoreType.DMA,
        pltpu.SemaphoreType.DMA,
    ],
)(_sc_gather_body)


_BLK = 4096


def _gru_body(h_ref, wr_ref, wz_ref, wn_ref, br_ref, bz_ref, bni_ref, bnh_ref,
              out_ref):
    h = h_ref[...]
    dn = (((1,), (0,)), ((), ()))
    r = jax.nn.sigmoid(
        jax.lax.dot_general(h, wr_ref[...], dn,
                            preferred_element_type=jnp.float32) + br_ref[...])
    z = jax.nn.sigmoid(
        jax.lax.dot_general(h, wz_ref[...], dn,
                            preferred_element_type=jnp.float32) + bz_ref[...])
    ghn = jax.lax.dot_general(h, wn_ref[...], dn,
                              preferred_element_type=jnp.float32) + bnh_ref[...]
    n = jnp.tanh(bni_ref[...] + r * ghn)
    out_ref[...] = n + z * (h - n)


def _gru(h, wr, wz, wn, br, bz, bni, bnh):
    grid = N_ID // _BLK
    w_spec = pl.BlockSpec((MEM_DIM, MEM_DIM), lambda i: (0, 0))
    b_spec = pl.BlockSpec((1, MEM_DIM), lambda i: (0, 0))
    return pl.pallas_call(
        _gru_body,
        grid=(grid,),
        in_specs=[
            pl.BlockSpec((_BLK, MEM_DIM), lambda i: (i, 0)),
            w_spec, w_spec, w_spec,
            b_spec, b_spec, b_spec, b_spec,
        ],
        out_specs=pl.BlockSpec((_BLK, MEM_DIM), lambda i: (i, 0)),
        out_shape=jax.ShapeDtypeStruct((N_ID, MEM_DIM), jnp.float32),
    )(h, wr, wz, wn, br, bz, bni, bnh)


@jax.jit
def kernel(n_id, memory, last_update, W_ih, W_hh, b_ih, b_hh):
    del W_ih
    h, lu_out = _sc_gather(n_id.astype(jnp.int32), memory,
                           last_update.astype(jnp.int32))
    D = MEM_DIM
    wr = W_hh[:D].T
    wz = W_hh[D:2 * D].T
    wn = W_hh[2 * D:].T
    br = (b_ih[:D] + b_hh[:D]).reshape(1, D)
    bz = (b_ih[D:2 * D] + b_hh[D:2 * D]).reshape(1, D)
    bni = b_ih[2 * D:].reshape(1, D)
    bnh = b_hh[2 * D:].reshape(1, D)
    mem_out = _gru(h, wr, wz, wn, br, bz, bni, bnh)
    return (mem_out, lu_out.astype(last_update.dtype))

# --- scband reference (transcript-rebuilt; emitter-appended) ---
"""Pipeline reference for scband-node-memory-9560597201637 (READ-ONLY COPY).

The authoritative reference and input builder live on the scoring server;
editing this copy changes nothing except your own understanding.
"""

import jax, jax.numpy as jnp
import numpy as np

NUM_NODES = 1000000
MEM_DIM = 128
RAW_MSG_DIM = 172
TIME_DIM = 100
MSG_OUT = 2 * MEM_DIM + RAW_MSG_DIM + TIME_DIM  # IdentityMessage.out_channels = 528
N_ID = 16384


def setup_inputs(seed: int = 0) -> dict:
    key = jax.random.key(seed)
    k1, k2, k3, k4, k5, k6, k7 = jax.random.split(key, 7)
    n_id = jax.random.randint(k1, (N_ID,), 0, NUM_NODES, dtype=jnp.int64 if jax.config.jax_enable_x64 else jnp.int32)
    memory = jax.random.normal(k2, (NUM_NODES, MEM_DIM), dtype=jnp.float32) * 0.1
    last_update = jax.random.randint(k3, (NUM_NODES,), 0, 100000, dtype=jnp.int64 if jax.config.jax_enable_x64 else jnp.int32)
    s = 1.0 / np.sqrt(MEM_DIM)
    W_ih = jax.random.uniform(k4, (3 * MEM_DIM, MSG_OUT), minval=-s, maxval=s, dtype=jnp.float32)
    W_hh = jax.random.uniform(k5, (3 * MEM_DIM, MEM_DIM), minval=-s, maxval=s, dtype=jnp.float32)
    b_ih = jax.random.uniform(k6, (3 * MEM_DIM,), minval=-s, maxval=s, dtype=jnp.float32)
    b_hh = jax.random.uniform(k7, (3 * MEM_DIM,), minval=-s, maxval=s, dtype=jnp.float32)
    return {"n_id": n_id, "memory": memory, "last_update": last_update,
            "W_ih": W_ih, "W_hh": W_hh, "b_ih": b_ih, "b_hh": b_hh}


def _gru_cell(x, h, W_ih, W_hh, b_ih, b_hh):
    gi = x @ W_ih.T + b_ih
    gh = h @ W_hh.T + b_hh
    i_r, i_z, i_n = jnp.split(gi, 3, axis=-1)
    h_r, h_z, h_n = jnp.split(gh, 3, axis=-1)
    r = jax.nn.sigmoid(i_r + h_r)
    z = jax.nn.sigmoid(i_z + h_z)
    n = jnp.tanh(i_n + r * h_n)
    return (1.0 - z) * n + z * h


def reference(n_id, memory, last_update, W_ih, W_hh, b_ih, b_hh):
    # Training-path forward at initial state: message stores are empty, so the
    # LastAggregator output is all-zeros of shape [len(n_id), msg_out_channels].
    N = n_id.shape[0]
    aggr = jnp.zeros((N, MSG_OUT), dtype=memory.dtype)
    h = jnp.take(memory, n_id, axis=0)  # gather memory rows (SparseCore gather)
    mem_out = _gru_cell(aggr, h, W_ih, W_hh, b_ih, b_hh)
    lu_out = jnp.take(last_update, n_id, axis=0)  # scatter over empty idx is identity
    return (mem_out, lu_out)

if __name__ == "__main__":
    import jax
    _d = setup_inputs()
    print(jax.jit(kernel)(*tuple(_d.values())))

</pallas_src>

<mosaic_0001>
#map = affine_map<(d0, d1) -> (0)>
#map1 = affine_map<(d0, d1) -> (0, 0)>
module attributes {stable_mosaic.version = 14 : i64} {
  func.func @_sc_gather_body(%arg0: i32, %arg1: i32, %arg2: memref<16384xi32, #tpu.memory_space<hbm>>, %arg3: memref<1000000x128xf32, #tpu.memory_space<hbm>>, %arg4: memref<1000000xi32, #tpu.memory_space<hbm>>, %arg5: memref<16384x128xf32, #tpu.memory_space<hbm>>, %arg6: memref<16384xi32, #tpu.memory_space<hbm>>, %arg7: memref<512xi32, #tpu.memory_space<vmem>>, %arg8: memref<512x128xf32, #tpu.memory_space<vmem>>, %arg9: memref<512xi32, #tpu.memory_space<vmem>>, %arg10: memref<!tpu.dma_semaphore, #tpu.memory_space<semaphore_mem>>, %arg11: memref<!tpu.dma_semaphore, #tpu.memory_space<semaphore_mem>>) attributes {dimension_semantics = [#tpu.dimension_semantics<core_parallel>, #tpu.dimension_semantics<subcore_parallel>], iteration_bounds = array<i64: 2, 16>, scalar_prefetch = 0 : i64, scratch_operands = 5 : i64, tpu.core_type = #tpu.core_type<sc_vector_subcore>, window_params = [{transform_indices = #map}, {transform_indices = #map1}, {transform_indices = #map}, {transform_indices = #map1}, {transform_indices = #map}]} {
    %mul3A = arith.constant 2 : i32
    %mul3A_0 = arith.muli %arg1, %mul3A : i32
    %add3A = arith.addi %mul3A_0, %arg0 : i32
    %mul3A_1 = arith.constant 512 : i32
    %mul3A_2 = arith.muli %add3A, %mul3A_1 : i32
    "tpu.region"() ({
      %run_scoped3A = tpu.sem_alloc : memref<!tpu.dma_semaphore, #tpu.memory_space<semaphore_mem>>
      %dma_start3A_113 = tpu.memref_slice %arg2[%mul3A_2] : memref<16384xi32, #tpu.memory_space<hbm>> -> memref<512xi32, #tpu.memory_space<hbm>>
      %dma_start3A_114 = tpu.memref_slice %arg2[%mul3A_2] : memref<16384xi32, #tpu.memory_space<hbm>> -> memref<512xi32, #tpu.memory_space<hbm>>
      tpu.enqueue_dma source(%dma_start3A_114 : memref<512xi32, #tpu.memory_space<hbm>>) target(%arg7 : memref<512xi32, #tpu.memory_space<vmem>>) target_semaphore(%run_scoped3A : memref<!tpu.dma_semaphore, #tpu.memory_space<semaphore_mem>>)
      %dma_wait3A_115 = tpu.memref_slice %arg2[%mul3A_2] : memref<16384xi32, #tpu.memory_space<hbm>> -> memref<512xi32, #tpu.memory_space<hbm>>
      %dma_wait3A_116 = tpu.memref_slice %arg2[%mul3A_2] : memref<16384xi32, #tpu.memory_space<hbm>> -> memref<512xi32, #tpu.memory_space<hbm>>
      tpu.wait_dma2 semaphore(%run_scoped3A : memref<!tpu.dma_semaphore, #tpu.memory_space<semaphore_mem>>) src(%dma_wait3A_116 : memref<512xi32, #tpu.memory_space<hbm>>) dst(%arg7 : memref<512xi32, #tpu.memory_space<vmem>>)
      tpu.yield
    }) : () -> ()
    %dma_start3A = arith.constant 0 : i32
    %dma_start3A_3 = arith.constant 0 : i32
    %dma_start3A_4 = tpu.memref_slice %arg8[%dma_start3A, %dma_start3A_3] : memref<512x128xf32, #tpu.memory_space<vmem>> -> memref<128x128xf32, #tpu.memory_space<vmem>>
    %dma_start3A_5 = arith.constant 0 : i32
    %dma_start3A_6 = tpu.memref_slice %arg7[%dma_start3A_5] : memref<512xi32, #tpu.memory_space<vmem>> -> memref<128xi32, #tpu.memory_space<vmem>>
    %dma_start3A_7 = arith.constant 0 : i32
    %dma_start3A_8 = arith.constant 0 : i32
    %dma_start3A_9 = tpu.memref_slice %arg3[%dma_start3A_7, %dma_start3A_8] : memref<1000000x128xf32, #tpu.memory_space<hbm>> -> memref<1000000x128xf32, #tpu.memory_space<hbm>>
    tpu.enqueue_indirect_dma source(%dma_start3A_9 : memref<1000000x128xf32, #tpu.memory_space<hbm>>) target(%dma_start3A_4 : memref<128x128xf32, #tpu.memory_space<vmem>>) offsets(%dma_start3A_6 : memref<128xi32, #tpu.memory_space<vmem>>) semaphore(%arg10 : memref<!tpu.dma_semaphore, #tpu.memory_space<semaphore_mem>>)
    %dma_start3A_10 = arith.constant 0 : i32
    %dma_start3A_11 = tpu.memref_slice %arg9[%dma_start3A_10] : memref<512xi32, #tpu.memory_space<vmem>> -> memref<128xi32, #tpu.memory_space<vmem>>
    %dma_start3A_12 = arith.constant 0 : i32
    %dma_start3A_13 = tpu.memref_slice %arg7[%dma_start3A_12] : memref<512xi32, #tpu.memory_space<vmem>> -> memref<128xi32, #tpu.memory_space<vmem>>
    %dma_start3A_14 = arith.constant 0 : i32
    %dma_start3A_15 = tpu.memref_slice %arg4[%dma_start3A_14] : memref<1000000xi32, #tpu.memory_space<hbm>> -> memref<1000000xi32, #tpu.memory_space<hbm>>
    tpu.enqueue_indirect_dma source(%dma_start3A_15 : memref<1000000xi32, #tpu.memory_space<hbm>>) target(%dma_start3A_11 : memref<128xi32, #tpu.memory_space<vmem>>) offsets(%dma_start3A_13 : memref<128xi32, #tpu.memory_space<vmem>>) semaphore(%arg11 : memref<!tpu.dma_semaphore, #tpu.memory_space<semaphore_mem>>)
    %dma_start3A_16 = arith.constant 128 : i32
    %dma_start3A_17 = arith.constant 0 : i32
    %dma_start3A_18 = tpu.memref_slice %arg8[%dma_start3A_16, %dma_start3A_17] : memref<512x128xf32, #tpu.memory_space<vmem>> -> memref<128x128xf32, #tpu.memory_space<vmem>>
    %dma_start3A_19 = arith.constant 128 : i32
    %dma_start3A_20 = tpu.memref_slice %arg7[%dma_start3A_19] : memref<512xi32, #tpu.memory_space<vmem>> -> memref<128xi32, #tpu.memory_space<vmem>>
    %dma_start3A_21 = arith.constant 0 : i32
    %dma_start3A_22 = arith.constant 0 : i32
    %dma_start3A_23 = tpu.memref_slice %arg3[%dma_start3A_21, %dma_start3A_22] : memref<1000000x128xf32, #tpu.memory_space<hbm>> -> memref<1000000x128xf32, #tpu.memory_space<hbm>>
    tpu.enqueue_indirect_dma source(%dma_start3A_23 : memref<1000000x128xf32, #tpu.memory_space<hbm>>) target(%dma_start3A_18 : memref<128x128xf32, #tpu.memory_space<vmem>>) offsets(%dma_start3A_20 : memref<128xi32, #tpu.memory_space<vmem>>) semaphore(%arg10 : memref<!tpu.dma_semaphore, #tpu.memory_space<semaphore_mem>>)
    %dma_start3A_24 = arith.constant 128 : i32
    %dma_start3A_25 = tpu.memref_slice %arg9[%dma_start3A_24] : memref<512xi32, #tpu.memory_space<vmem>> -> memref<128xi32, #tpu.memory_space<vmem>>
    %dma_start3A_26 = arith.constant 128 : i32
    %dma_start3A_27 = tpu.memref_slice %arg7[%dma_start3A_26] : memref<512xi32, #tpu.memory_space<vmem>> -> memref<128xi32, #tpu.memory_space<vmem>>
    %dma_start3A_28 = arith.constant 0 : i32
    %dma_start3A_29 = tpu.memref_slice %arg4[%dma_start3A_28] : memref<1000000xi32, #tpu.memory_space<hbm>> -> memref<1000000xi32, #tpu.memory_space<hbm>>
    tpu.enqueue_indirect_dma source(%dma_start3A_29 : memref<1000000xi32, #tpu.memory_space<hbm>>) target(%dma_start3A_25 : memref<128xi32, #tpu.memory_space<vmem>>) offsets(%dma_start3A_27 : memref<128xi32, #tpu.memory_space<vmem>>) semaphore(%arg11 : memref<!tpu.dma_semaphore, #tpu.memory_space<semaphore_mem>>)
    %dma_start3A_30 = arith.constant 256 : i32
    %dma_start3A_31 = arith.constant 0 : i32
    %dma_start3A_32 = tpu.memref_slice %arg8[%dma_start3A_30, %dma_start3A_31] : memref<512x128xf32, #tpu.memory_space<vmem>> -> memref<128x128xf32, #tpu.memory_space<vmem>>
    %dma_start3A_33 = arith.constant 256 : i32
    %dma_start3A_34 = tpu.memref_slice %arg7[%dma_start3A_33] : memref<512xi32, #tpu.memory_space<vmem>> -> memref<128xi32, #tpu.memory_space<vmem>>
    %dma_start3A_35 = arith.constant 0 : i32
    %dma_start3A_36 = arith.constant 0 : i32
    %dma_start3A_37 = tpu.memref_slice %arg3[%dma_start3A_35, %dma_start3A_36] : memref<1000000x128xf32, #tpu.memory_space<hbm>> -> memref<1000000x128xf32, #tpu.memory_space<hbm>>
    tpu.enqueue_indirect_dma source(%dma_start3A_37 : memref<1000000x128xf32, #tpu.memory_space<hbm>>) target(%dma_start3A_32 : memref<128x128xf32, #tpu.memory_space<vmem>>) offsets(%dma_start3A_34 : memref<128xi32, #tpu.memory_space<vmem>>) semaphore(%arg10 : memref<!tpu.dma_semaphore, #tpu.memory_space<semaphore_mem>>)
    %dma_start3A_38 = arith.constant 256 : i32
    %dma_start3A_39 = tpu.memref_slice %arg9[%dma_start3A_38] : memref<512xi32, #tpu.memory_space<vmem>> -> memref<128xi32, #tpu.memory_space<vmem>>
    %dma_start3A_40 = arith.constant 256 : i32
    %dma_start3A_41 = tpu.memref_slice %arg7[%dma_start3A_40] : memref<512xi32, #tpu.memory_space<vmem>> -> memref<128xi32, #tpu.memory_space<vmem>>
    %dma_start3A_42 = arith.constant 0 : i32
    %dma_start3A_43 = tpu.memref_slice %arg4[%dma_start3A_42] : memref<1000000xi32, #tpu.memory_space<hbm>> -> memref<1000000xi32, #tpu.memory_space<hbm>>
    tpu.enqueue_indirect_dma source(%dma_start3A_43 : memref<1000000xi32, #tpu.memory_space<hbm>>) target(%dma_start3A_39 : memref<128xi32, #tpu.memory_space<vmem>>) offsets(%dma_start3A_41 : memref<128xi32, #tpu.memory_space<vmem>>) semaphore(%arg11 : memref<!tpu.dma_semaphore, #tpu.memory_space<semaphore_mem>>)
    %dma_start3A_44 = arith.constant 384 : i32
    %dma_start3A_45 = arith.constant 0 : i32
    %dma_start3A_46 = tpu.memref_slice %arg8[%dma_start3A_44, %dma_start3A_45] : memref<512x128xf32, #tpu.memory_space<vmem>> -> memref<128x128xf32, #tpu.memory_space<vmem>>
    %dma_start3A_47 = arith.constant 384 : i32
    %dma_start3A_48 = tpu.memref_slice %arg7[%dma_start3A_47] : memref<512xi32, #tpu.memory_space<vmem>> -> memref<128xi32, #tpu.memory_space<vmem>>
    %dma_start3A_49 = arith.constant 0 : i32
    %dma_start3A_50 = arith.constant 0 : i32
    %dma_start3A_51 = tpu.memref_slice %arg3[%dma_start3A_49, %dma_start3A_50] : memref<1000000x128xf32, #tpu.memory_space<hbm>> -> memref<1000000x128xf32, #tpu.memory_space<hbm>>
    tpu.enqueue_indirect_dma source(%dma_start3A_51 : memref<1000000x128xf32, #tpu.memory_space<hbm>>) target(%dma_start3A_46 : memref<128x128xf32, #tpu.memory_space<vmem>>) offsets(%dma_start3A_48 : memref<128xi32, #tpu.memory_space<vmem>>) semaphore(%arg10 : memref<!tpu.dma_semaphore, #tpu.memory_space<semaphore_mem>>)
    %dma_start3A_52 = arith.constant 384 : i32
    %dma_start3A_53 = tpu.memref_slice %arg9[%dma_start3A_52] : memref<512xi32, #tpu.memory_space<vmem>> -> memref<128xi32, #tpu.memory_space<vmem>>
    %dma_start3A_54 = arith.constant 384 : i32
    %dma_start3A_55 = tpu.memref_slice %arg7[%dma_start3A_54] : memref<512xi32, #tpu.memory_space<vmem>> -> memref<128xi32, #tpu.memory_space<vmem>>
    %dma_start3A_56 = arith.constant 0 : i32
    %dma_start3A_57 = tpu.memref_slice %arg4[%dma_start3A_56] : memref<1000000xi32, #tpu.memory_space<hbm>> -> memref<1000000xi32, #tpu.memory_space<hbm>>
    tpu.enqueue_indirect_dma source(%dma_start3A_57 : memref<1000000xi32, #tpu.memory_space<hbm>>) target(%dma_start3A_53 : memref<128xi32, #tpu.memory_space<vmem>>) offsets(%dma_start3A_55 : memref<128xi32, #tpu.memory_space<vmem>>) semaphore(%arg11 : memref<!tpu.dma_semaphore, #tpu.memory_space<semaphore_mem>>)
    %dma_wait3A = arith.constant 0 : i32
    %dma_wait3A_58 = arith.constant 0 : i32
    %dma_wait3A_59 = tpu.memref_slice %arg8[%dma_wait3A, %dma_wait3A_58] : memref<512x128xf32, #tpu.memory_space<vmem>> -> memref<128x128xf32, #tpu.memory_space<vmem>>
    %dma_wait3A_60 = arith.constant 0 : i32
    %dma_wait3A_61 = tpu.memref_slice %arg7[%dma_wait3A_60] : memref<512xi32, #tpu.memory_space<vmem>> -> memref<128xi32, #tpu.memory_space<vmem>>
    %dma_wait3A_62 = arith.constant 0 : i32
    %dma_wait3A_63 = arith.constant 0 : i32
    %dma_wait3A_64 = tpu.memref_slice %arg3[%dma_wait3A_62, %dma_wait3A_63] : memref<1000000x128xf32, #tpu.memory_space<hbm>> -> memref<1000000x128xf32, #tpu.memory_space<hbm>>
    tpu.wait_indirect_dma semaphore(%arg10 : memref<!tpu.dma_semaphore, #tpu.memory_space<semaphore_mem>>) src(%dma_wait3A_64 : memref<1000000x128xf32, #tpu.memory_space<hbm>>) dst(%dma_wait3A_59 : memref<128x128xf32, #tpu.memory_space<vmem>>)
    %dma_wait3A_65 = arith.constant 128 : i32
    %dma_wait3A_66 = arith.constant 0 : i32
    %dma_wait3A_67 = tpu.memref_slice %arg8[%dma_wait3A_65, %dma_wait3A_66] : memref<512x128xf32, #tpu.memory_space<vmem>> -> memref<128x128xf32, #tpu.memory_space<vmem>>
    %dma_wait3A_68 = arith.constant 128 : i32
    %dma_wait3A_69 = tpu.memref_slice %arg7[%dma_wait3A_68] : memref<512xi32, #tpu.memory_space<vmem>> -> memref<128xi32, #tpu.memory_space<vmem>>
    %dma_wait3A_70 = arith.constant 0 : i32
    %dma_wait3A_71 = arith.constant 0 : i32
    %dma_wait3A_72 = tpu.memref_slice %arg3[%dma_wait3A_70, %dma_wait3A_71] : memref<1000000x128xf32, #tpu.memory_space<hbm>> -> memref<1000000x128xf32, #tpu.memory_space<hbm>>
    tpu.wait_indirect_dma semaphore(%arg10 : memref<!tpu.dma_semaphore, #tpu.memory_space<semaphore_mem>>) src(%dma_wait3A_72 : memref<1000000x128xf32, #tpu.memory_space<hbm>>) dst(%dma_wait3A_67 : memref<128x128xf32, #tpu.memory_space<vmem>>)
    %dma_wait3A_73 = arith.constant 256 : i32
    %dma_wait3A_74 = arith.constant 0 : i32
    %dma_wait3A_75 = tpu.memref_slice %arg8[%dma_wait3A_73, %dma_wait3A_74] : memref<512x128xf32, #tpu.memory_space<vmem>> -> memref<128x128xf32, #tpu.memory_space<vmem>>
    %dma_wait3A_76 = arith.constant 256 : i32
    %dma_wait3A_77 = tpu.memref_slice %arg7[%dma_wait3A_76] : memref<512xi32, #tpu.memory_space<vmem>> -> memref<128xi32, #tpu.memory_space<vmem>>
    %dma_wait3A_78 = arith.constant 0 : i32
    %dma_wait3A_79 = arith.constant 0 : i32
    %dma_wait3A_80 = tpu.memref_slice %arg3[%dma_wait3A_78, %dma_wait3A_79] : memref<1000000x128xf32, #tpu.memory_space<hbm>> -> memref<1000000x128xf32, #tpu.memory_space<hbm>>
    tpu.wait_indirect_dma semaphore(%arg10 : memref<!tpu.dma_semaphore, #tpu.memory_space<semaphore_mem>>) src(%dma_wait3A_80 : memref<1000000x128xf32, #tpu.memory_space<hbm>>) dst(%dma_wait3A_75 : memref<128x128xf32, #tpu.memory_space<vmem>>)
    %dma_wait3A_81 = arith.constant 384 : i32
    %dma_wait3A_82 = arith.constant 0 : i32
    %dma_wait3A_83 = tpu.memref_slice %arg8[%dma_wait3A_81, %dma_wait3A_82] : memref<512x128xf32, #tpu.memory_space<vmem>> -> memref<128x128xf32, #tpu.memory_space<vmem>>
    %dma_wait3A_84 = arith.constant 384 : i32
    %dma_wait3A_85 = tpu.memref_slice %arg7[%dma_wait3A_84] : memref<512xi32, #tpu.memory_space<vmem>> -> memref<128xi32, #tpu.memory_space<vmem>>
    %dma_wait3A_86 = arith.constant 0 : i32
    %dma_wait3A_87 = arith.constant 0 : i32
    %dma_wait3A_88 = tpu.memref_slice %arg3[%dma_wait3A_86, %dma_wait3A_87] : memref<1000000x128xf32, #tpu.memory_space<hbm>> -> memref<1000000x128xf32, #tpu.memory_space<hbm>>
    tpu.wait_indirect_dma semaphore(%arg10 : memref<!tpu.dma_semaphore, #tpu.memory_space<semaphore_mem>>) src(%dma_wait3A_88 : memref<1000000x128xf32, #tpu.memory_space<hbm>>) dst(%dma_wait3A_83 : memref<128x128xf32, #tpu.memory_space<vmem>>)
    "tpu.region"() ({
      %run_scoped3A = tpu.sem_alloc : memref<!tpu.dma_semaphore, #tpu.memory_space<semaphore_mem>>
      %dma_start3A_113 = arith.constant 0 : i32
      %dma_start3A_114 = tpu.memref_slice %arg5[%mul3A_2, %dma_start3A_113] : memref<16384x128xf32, #tpu.memory_space<hbm>> -> memref<512x128xf32, #tpu.memory_space<hbm>>
      %dma_start3A_115 = arith.constant 0 : i32
      %dma_start3A_116 = tpu.memref_slice %arg5[%mul3A_2, %dma_start3A_115] : memref<16384x128xf32, #tpu.memory_space<hbm>> -> memref<512x128xf32, #tpu.memory_space<hbm>>
      tpu.enqueue_dma source(%arg8 : memref<512x128xf32, #tpu.memory_space<vmem>>) target(%dma_start3A_116 : memref<512x128xf32, #tpu.memory_space<hbm>>) target_semaphore(%run_scoped3A : memref<!tpu.dma_semaphore, #tpu.memory_space<semaphore_mem>>)
      %dma_wait3A_117 = arith.constant 0 : i32
      %dma_wait3A_118 = tpu.memref_slice %arg5[%mul3A_2, %dma_wait3A_117] : memref<16384x128xf32, #tpu.memory_space<hbm>> -> memref<512x128xf32, #tpu.memory_space<hbm>>
      %dma_wait3A_119 = arith.constant 0 : i32
      %dma_wait3A_120 = tpu.memref_slice %arg5[%mul3A_2, %dma_wait3A_119] : memref<16384x128xf32, #tpu.memory_space<hbm>> -> memref<512x128xf32, #tpu.memory_space<hbm>>
      tpu.wait_dma2 semaphore(%run_scoped3A : memref<!tpu.dma_semaphore, #tpu.memory_space<semaphore_mem>>) src(%arg8 : memref<512x128xf32, #tpu.memory_space<vmem>>) dst(%dma_wait3A_120 : memref<512x128xf32, #tpu.memory_space<hbm>>)
      tpu.yield
    }) : () -> ()
    %dma_wait3A_89 = arith.constant 0 : i32
    %dma_wait3A_90 = tpu.memref_slice %arg9[%dma_wait3A_89] : memref<512xi32, #tpu.memory_space<vmem>> -> memref<128xi32, #tpu.memory_space<vmem>>
    %dma_wait3A_91 = arith.constant 0 : i32
    %dma_wait3A_92 = tpu.memref_slice %arg7[%dma_wait3A_91] : memref<512xi32, #tpu.memory_space<vmem>> -> memref<128xi32, #tpu.memory_space<vmem>>
    %dma_wait3A_93 = arith.constant 0 : i32
    %dma_wait3A_94 = tpu.memref_slice %arg4[%dma_wait3A_93] : memref<1000000xi32, #tpu.memory_space<hbm>> -> memref<1000000xi32, #tpu.memory_space<hbm>>
    tpu.wait_indirect_dma semaphore(%arg11 : memref<!tpu.dma_semaphore, #tpu.memory_space<semaphore_mem>>) src(%dma_wait3A_94 : memref<1000000xi32, #tpu.memory_space<hbm>>) dst(%dma_wait3A_90 : memref<128xi32, #tpu.memory_space<vmem>>)
    %dma_wait3A_95 = arith.constant 128 : i32
    %dma_wait3A_96 = tpu.memref_slice %arg9[%dma_wait3A_95] : memref<512xi32, #tpu.memory_space<vmem>> -> memref<128xi32, #tpu.memory_space<vmem>>
    %dma_wait3A_97 = arith.constant 128 : i32
    %dma_wait3A_98 = tpu.memref_slice %arg7[%dma_wait3A_97] : memref<512xi32, #tpu.memory_space<vmem>> -> memref<128xi32, #tpu.memory_space<vmem>>
    %dma_wait3A_99 = arith.constant 0 : i32
    %dma_wait3A_100 = tpu.memref_slice %arg4[%dma_wait3A_99] : memref<1000000xi32, #tpu.memory_space<hbm>> -> memref<1000000xi32, #tpu.memory_space<hbm>>
    tpu.wait_indirect_dma semaphore(%arg11 : memref<!tpu.dma_semaphore, #tpu.memory_space<semaphore_mem>>) src(%dma_wait3A_100 : memref<1000000xi32, #tpu.memory_space<hbm>>) dst(%dma_wait3A_96 : memref<128xi32, #tpu.memory_space<vmem>>)
    %dma_wait3A_101 = arith.constant 256 : i32
    %dma_wait3A_102 = tpu.memref_slice %arg9[%dma_wait3A_101] : memref<512xi32, #tpu.memory_space<vmem>> -> memref<128xi32, #tpu.memory_space<vmem>>
    %dma_wait3A_103 = arith.constant 256 : i32
    %dma_wait3A_104 = tpu.memref_slice %arg7[%dma_wait3A_103] : memref<512xi32, #tpu.memory_space<vmem>> -> memref<128xi32, #tpu.memory_space<vmem>>
    %dma_wait3A_105 = arith.constant 0 : i32
    %dma_wait3A_106 = tpu.memref_slice %arg4[%dma_wait3A_105] : memref<1000000xi32, #tpu.memory_space<hbm>> -> memref<1000000xi32, #tpu.memory_space<hbm>>
    tpu.wait_indirect_dma semaphore(%arg11 : memref<!tpu.dma_semaphore, #tpu.memory_space<semaphore_mem>>) src(%dma_wait3A_106 : memref<1000000xi32, #tpu.memory_space<hbm>>) dst(%dma_wait3A_102 : memref<128xi32, #tpu.memory_space<vmem>>)
    %dma_wait3A_107 = arith.constant 384 : i32
    %dma_wait3A_108 = tpu.memref_slice %arg9[%dma_wait3A_107] : memref<512xi32, #tpu.memory_space<vmem>> -> memref<128xi32, #tpu.memory_space<vmem>>
    %dma_wait3A_109 = arith.constant 384 : i32
    %dma_wait3A_110 = tpu.memref_slice %arg7[%dma_wait3A_109] : memref<512xi32, #tpu.memory_space<vmem>> -> memref<128xi32, #tpu.memory_space<vmem>>
    %dma_wait3A_111 = arith.constant 0 : i32
    %dma_wait3A_112 = tpu.memref_slice %arg4[%dma_wait3A_111] : memref<1000000xi32, #tpu.memory_space<hbm>> -> memref<1000000xi32, #tpu.memory_space<hbm>>
    tpu.wait_indirect_dma semaphore(%arg11 : memref<!tpu.dma_semaphore, #tpu.memory_space<semaphore_mem>>) src(%dma_wait3A_112 : memref<1000000xi32, #tpu.memory_space<hbm>>) dst(%dma_wait3A_108 : memref<128xi32, #tpu.memory_space<vmem>>)
    "tpu.region"() ({
      %run_scoped3A = tpu.sem_alloc : memref<!tpu.dma_semaphore, #tpu.memory_space<semaphore_mem>>
      %dma_start3A_113 = tpu.memref_slice %arg6[%mul3A_2] : memref<16384xi32, #tpu.memory_space<hbm>> -> memref<512xi32, #tpu.memory_space<hbm>>
      %dma_start3A_114 = tpu.memref_slice %arg6[%mul3A_2] : memref<16384xi32, #tpu.memory_space<hbm>> -> memref<512xi32, #tpu.memory_space<hbm>>
      tpu.enqueue_dma source(%arg9 : memref<512xi32, #tpu.memory_space<vmem>>) target(%dma_start3A_114 : memref<512xi32, #tpu.memory_space<hbm>>) target_semaphore(%run_scoped3A : memref<!tpu.dma_semaphore, #tpu.memory_space<semaphore_mem>>)
      %dma_wait3A_115 = tpu.memref_slice %arg6[%mul3A_2] : memref<16384xi32, #tpu.memory_space<hbm>> -> memref<512xi32, #tpu.memory_space<hbm>>
      %dma_wait3A_116 = tpu.memref_slice %arg6[%mul3A_2] : memref<16384xi32, #tpu.memory_space<hbm>> -> memref<512xi32, #tpu.memory_space<hbm>>
      tpu.wait_dma2 semaphore(%run_scoped3A : memref<!tpu.dma_semaphore, #tpu.memory_space<semaphore_mem>>) src(%arg9 : memref<512xi32, #tpu.memory_space<vmem>>) dst(%dma_wait3A_116 : memref<512xi32, #tpu.memory_space<hbm>>)
      tpu.yield
    }) : () -> ()
    return
  }
}

module attributes {stable_mosaic.version = 14 : i64} {
  func.func @_gru_body(%arg0: i32, %arg1: memref<4096x128xf32, #tpu.memory_space<vmem>>, %arg2: memref<128x128xf32, #tpu.memory_space<vmem>>, %arg3: memref<128x128xf32, #tpu.memory_space<vmem>>, %arg4: memref<128x128xf32, #tpu.memory_space<vmem>>, %arg5: memref<1x128xf32, #tpu.memory_space<vmem>>, %arg6: memref<1x128xf32, #tpu.memory_space<vmem>>, %arg7: memref<1x128xf32, #tpu.memory_space<vmem>>, %arg8: memref<1x128xf32, #tpu.memory_space<vmem>>, %arg9: memref<4096x128xf32, #tpu.memory_space<vmem>>) attributes {dimension_semantics = [#tpu.dimension_semantics<arbitrary>], iteration_bounds = array<i64: 4>, scalar_prefetch = 0 : i64, scratch_operands = 0 : i64, tpu.core_type = #tpu.core_type<tc>, window_params = [{transform_indices = @transform_0, window_bounds = array<i64: 4096, 128>}, {pipeline_mode = #tpu.pipeline_mode<synchronous>, transform_indices = @transform_1, window_bounds = array<i64: 128, 128>}, {pipeline_mode = #tpu.pipeline_mode<synchronous>, transform_indices = @transform_2, window_bounds = array<i64: 128, 128>}, {pipeline_mode = #tpu.pipeline_mode<synchronous>, transform_indices = @transform_3, window_bounds = array<i64: 128, 128>}, {pipeline_mode = #tpu.pipeline_mode<synchronous>, transform_indices = @transform_4, window_bounds = array<i64: 1, 128>}, {pipeline_mode = #tpu.pipeline_mode<synchronous>, transform_indices = @transform_5, window_bounds = array<i64: 1, 128>}, {pipeline_mode = #tpu.pipeline_mode<synchronous>, transform_indices = @transform_6, window_bounds = array<i64: 1, 128>}, {pipeline_mode = #tpu.pipeline_mode<synchronous>, transform_indices = @transform_7, window_bounds = array<i64: 1, 128>}, {transform_indices = @transform_8, window_bounds = array<i64: 4096, 128>}]} {
    %get3A = arith.constant 0 : index
    %get3A_0 = arith.constant 0 : index
    %get3A_1 = vector.load %arg1[%get3A, %get3A_0] : memref<4096x128xf32, #tpu.memory_space<vmem>>, vector<4096x128xf32>
    %get3A_2 = arith.constant 0 : index
    %get3A_3 = arith.constant 0 : index
    %get3A_4 = vector.load %arg2[%get3A_2, %get3A_3] : memref<128x128xf32, #tpu.memory_space<vmem>>, vector<128x128xf32>
    %dot_general3A = arith.constant dense<0.000000e+00> : vector<4096x128xf32>
    %dot_general3A_5 = tpu.matmul %get3A_1, %get3A_4, %dot_general3A {dimension_numbers = #tpu.dot_dimension_numbers<[1], [0], [0], [1], [0, 0, 1, 1], [], []>, transpose_lhs_hint = false} : vector<4096x128xf32>, vector<128x128xf32>, vector<4096x128xf32> -> vector<4096x128xf32>
    %get3A_6 = arith.constant 0 : index
    %get3A_7 = arith.constant 0 : index
    %get3A_8 = vector.load %arg5[%get3A_6, %get3A_7] : memref<1x128xf32, #tpu.memory_space<vmem>>, vector<1x128xf32>
    %add3A = vector.broadcast %get3A_8 : vector<1x128xf32> to vector<4096x128xf32>
    %add3A_9 = arith.addf %dot_general3A_5, %add3A : vector<4096x128xf32>
    %logistic3A = arith.negf %add3A_9 : vector<4096x128xf32>
    %logistic3A_10 = math.exp %logistic3A : vector<4096x128xf32>
    %logistic3A_11 = arith.constant 1.000000e+00 : f32
    %logistic3A_12 = vector.broadcast %logistic3A_11 : f32 to vector<4096x128xf32>
    %logistic3A_13 = arith.addf %logistic3A_12, %logistic3A_10 : vector<4096x128xf32>
    %logistic3A_14 = arith.divf %logistic3A_12, %logistic3A_13 : vector<4096x128xf32>
    %get3A_15 = arith.constant 0 : index
    %get3A_16 = arith.constant 0 : index
    %get3A_17 = vector.load %arg3[%get3A_15, %get3A_16] : memref<128x128xf32, #tpu.memory_space<vmem>>, vector<128x128xf32>
    %dot_general3A_18 = arith.constant dense<0.000000e+00> : vector<4096x128xf32>
    %dot_general3A_19 = tpu.matmul %get3A_1, %get3A_17, %dot_general3A_18 {dimension_numbers = #tpu.dot_dimension_numbers<[1], [0], [0], [1], [0, 0, 1, 1], [], []>, transpose_lhs_hint = false} : vector<4096x128xf32>, vector<128x128xf32>, vector<4096x128xf32> -> vector<4096x128xf32>
    %get3A_20 = arith.constant 0 : index
    %get3A_21 = arith.constant 0 : index
    %get3A_22 = vector.load %arg6[%get3A_20, %get3A_21] : memref<1x128xf32, #tpu.memory_space<vmem>>, vector<1x128xf32>
    %add3A_23 = vector.broadcast %get3A_22 : vector<1x128xf32> to vector<4096x128xf32>
    %add3A_24 = arith.addf %dot_general3A_19, %add3A_23 : vector<4096x128xf32>
    %logistic3A_25 = arith.negf %add3A_24 : vector<4096x128xf32>
    %logistic3A_26 = math.exp %logistic3A_25 : vector<4096x128xf32>
    %logistic3A_27 = arith.constant 1.000000e+00 : f32
    %logistic3A_28 = vector.broadcast %logistic3A_27 : f32 to vector<4096x128xf32>
    %logistic3A_29 = arith.addf %logistic3A_28, %logistic3A_26 : vector<4096x128xf32>
    %logistic3A_30 = arith.divf %logistic3A_28, %logistic3A_29 : vector<4096x128xf32>
    %get3A_31 = arith.constant 0 : index
    %get3A_32 = arith.constant 0 : index
    %get3A_33 = vector.load %arg4[%get3A_31, %get3A_32] : memref<128x128xf32, #tpu.memory_space<vmem>>, vector<128x128xf32>
    %dot_general3A_34 = arith.constant dense<0.000000e+00> : vector<4096x128xf32>
    %dot_general3A_35 = tpu.matmul %get3A_1, %get3A_33, %dot_general3A_34 {dimension_numbers = #tpu.dot_dimension_numbers<[1], [0], [0], [1], [0, 0, 1, 1], [], []>, transpose_lhs_hint = false} : vector<4096x128xf32>, vector<128x128xf32>, vector<4096x128xf32> -> vector<4096x128xf32>
    %get3A_36 = arith.constant 0 : index
    %get3A_37 = arith.constant 0 : index
    %get3A_38 = vector.load %arg8[%get3A_36, %get3A_37] : memref<1x128xf32, #tpu.memory_space<vmem>>, vector<1x128xf32>
    %add3A_39 = vector.broadcast %get3A_38 : vector<1x128xf32> to vector<4096x128xf32>
    %add3A_40 = arith.addf %dot_general3A_35, %add3A_39 : vector<4096x128xf32>
    %get3A_41 = arith.constant 0 : index
    %get3A_42 = arith.constant 0 : index
    %get3A_43 = vector.load %arg7[%get3A_41, %get3A_42] : memref<1x128xf32, #tpu.memory_space<vmem>>, vector<1x128xf32>
    %mul3A = arith.mulf %logistic3A_14, %add3A_40 : vector<4096x128xf32>
    %add3A_44 = vector.broadcast %get3A_43 : vector<1x128xf32> to vector<4096x128xf32>
    %add3A_45 = arith.addf %add3A_44, %mul3A : vector<4096x128xf32>
    %tanh3A = math.tanh %add3A_45 : vector<4096x128xf32>
    %sub3A = arith.subf %get3A_1, %tanh3A : vector<4096x128xf32>
    %mul3A_46 = arith.mulf %logistic3A_30, %sub3A : vector<4096x128xf32>
    %add3A_47 = arith.addf %tanh3A, %mul3A_46 : vector<4096x128xf32>
    %swap3A = arith.constant 0 : index
    %swap3A_48 = arith.constant 0 : index
    %swap3A_49 = vector.load %arg9[%swap3A, %swap3A_48] : memref<4096x128xf32, #tpu.memory_space<vmem>>, vector<4096x128xf32>
    tpu.vector_store %arg9[%swap3A, %swap3A_48], %add3A_47 {strides = array<i32>} : memref<4096x128xf32, #tpu.memory_space<vmem>>, vector<4096x128xf32>,
    return
  }
  func.func @transform_0(%arg0: i32) -> (i32, i32) {
    %c0_i32 = arith.constant 0 : i32
    %c0_i32_0 = arith.constant 0 : i32
    return %arg0, %c0_i32 : i32, i32
  }
  func.func @transform_1(%arg0: i32) -> (i32, i32) {
    %c0_i32 = arith.constant 0 : i32
    %c0_i32_0 = arith.constant 0 : i32
    %c0_i32_1 = arith.constant 0 : i32
    return %c0_i32, %c0_i32_0 : i32, i32
  }
  func.func @transform_2(%arg0: i32) -> (i32, i32) {
    %c0_i32 = arith.constant 0 : i32
    %c0_i32_0 = arith.constant 0 : i32
    %c0_i32_1 = arith.constant 0 : i32
    return %c0_i32, %c0_i32_0 : i32, i32
  }
  func.func @transform_3(%arg0: i32) -> (i32, i32) {
    %c0_i32 = arith.constant 0 : i32
    %c0_i32_0 = arith.constant 0 : i32
    %c0_i32_1 = arith.constant 0 : i32
    return %c0_i32, %c0_i32_0 : i32, i32
  }
  func.func @transform_4(%arg0: i32) -> (i32, i32) {
    %c0_i32 = arith.constant 0 : i32
    %c0_i32_0 = arith.constant 0 : i32
    %c0_i32_1 = arith.constant 0 : i32
    return %c0_i32, %c0_i32_0 : i32, i32
  }
  func.func @transform_5(%arg0: i32) -> (i32, i32) {
    %c0_i32 = arith.constant 0 : i32
    %c0_i32_0 = arith.constant 0 : i32
    %c0_i32_1 = arith.constant 0 : i32
    return %c0_i32, %c0_i32_0 : i32, i32
  }
  func.func @transform_6(%arg0: i32) -> (i32, i32) {
    %c0_i32 = arith.constant 0 : i32
    %c0_i32_0 = arith.constant 0 : i32
    %c0_i32_1 = arith.constant 0 : i32
    return %c0_i32, %c0_i32_0 : i32, i32
  }
  func.func @transform_7(%arg0: i32) -> (i32, i32) {
    %c0_i32 = arith.constant 0 : i32
    %c0_i32_0 = arith.constant 0 : i32
    %c0_i32_1 = arith.constant 0 : i32
    return %c0_i32, %c0_i32_0 : i32, i32
  }
  func.func @transform_8(%arg0: i32) -> (i32, i32) {
    %c0_i32 = arith.constant 0 : i32
    %c0_i32_0 = arith.constant 0 : i32
    return %arg0, %c0_i32 : i32, i32
  }
}

</mosaic_0001>

<sc_bundles>
// kernel: kernel.4.cloned.1.call-start
scs
__scs_entry_jumppad:
0x0: {  	(pc) =	sbr.rel $0x88, $3  }
0x1: {  	(tag) =	ssettag $0x0;
	lr =	simm.s32 $0x1  }
0x2: {  	[smem:$0x3F9B] =	sst lr;
	_ =	strace $0xD0000000  }
0x3: {  	_ = 	snop  }
0x4: {  	_ = 	snop  }
0x5: {  	_ = 	snop  }
0x6: {  	_ = 	snop  }
0x7: {  	_ = 	snop  }
__scs_overlays_trampoline_lowered:
0x8: {  	[smem:$0x3FAA] =	sst s0  }
0x9: {  	[smem:$0x3FAB] =	sst s1  }
0xa: {  	[smem:$0x3FAC] =	sst s2  }
0xb: {  	[smem:$0x3FAD] =	sst s3  }
0xc: {  	[smem:$0x3FAE] =	sst s4  }
0xd: {  	[smem:$0x3FAF] =	sst s5  }
0xe: {  	[smem:$0x3FB0] =	sst s6  }
0xf: {  	[smem:$0x3FB1] =	sst s7  }
0x10: {  	[smem:$0x3FB2] =	sst s8  }
0x11: {  	[smem:$0x3FB3] =	sst s9;
	s0 =	simm.s32 @!p0 $0x0  }
0x12: {  	s1 =	sld [smem:$0x3F99];
	s0 =	simm.s32 @p0 $0x1  }
0x13: {  	[smem:$0x3FB4] =	sst s0;
	s0 =	simm.s32 @!p1 $0x0  }
0x14: {  	s2 =	sld [smem:$0x3F98];
	s0 =	simm.s32 @p1 $0x1  }
0x15: {  	[smem:$0x3FB5] =	sst s0;
	s0 =	simm.s32 @!p2 $0x0  }
0x16: {  	s3 =	sld [smem:$0x3FDB];
	s0 =	simm.s32 @p2 $0x1  }
0x17: {  	s4 =	simm.s32 $0x1BF5;
	[smem:$0x3FB7] =	sst s0  }
0x18: {  	s0 =	sld [smem:$0x3F9A];
	_ =	swait.ge [sflag:s4], $0x0  }
0x19: {  	s7 =	sld [smem:$0x3F9B]  }
0x1a: {  	s8 =	sadd.s32 $0xFFFFE003, lr  }
0x1b: {  	s9 =	sadd.s32 $0xFFFFFEF7, lr;
	s5 =	simm.s32 $0xFFFFFFFF;
	p2 =	slt.u32 s8, $0xFFFFF086  }
0x1c: {  	p1 =	slt.u32 s9, $0xF7A;
	s5 =	simm.s32 @!p2 $0x0  }
0x1d: {  	s5 =	simm.s32 @p1 $0x1;
	p0 =	seq.s32 s7, s2  }
0x1e: {  	s7 =	smul.u32 @!p0 $0xF7A, s2;
	p2 =	seq.s32 @!p0 s5, $0x0  }
0x1f: {  	s9 =	smul.u32 $0xF7A, s1;
	s8 =	simm.s32 @!p0 $0x1BF5;
	p2 =	por !p2, p0  }
0x20: {  	[sflag:s8] =	ssyncset.s32 @!p0 $0xFFFFF086;
	s6 =	sadd.s32 @!p0 s3, s7;
	s7 =	simm.s32 @!p0 $0x108  }
0x21: {  	s3 =	sadd.s32 s3, s9;
	s6 =	sadd.s32 @!p0 $0x88, s6;
	s7 =	simm.s32 @p2 $0x1082  }
0x22: {  	[simem:s7], [sflag:s8] =	dma.local @!p0 [hbm:s6], $0xF7A  }
0x23: {  	s9 =	sor.u32 $0xD0000000, s2;
	s6 =	simm.s32 $0x108;
	_ =	swait.ge @!p0 [sflag:s8], $0x0  }
0x24: {  	s3 =	sadd.s32 $0x88, s3;
	s6 =	simm.s32 @!p1 $0x1082;
	[sflag:s4] =	ssyncset.s32 $0xFFFFF086  }
0x25: {  	[simem:s6], [sflag:s4] =	dma.local [hbm:s3], $0xF7A  }
0x26: {  	[smem:$0x3F9B] =	sst s1;
	(tag) =	ssettag s2;
	_ =	strace s9  }
0x27: {  	s1 =	sld [smem:$0x3FAB]  }
0x28: {  	s2 =	sld [smem:$0x3FAC]  }
0x29: {  	s4 =	sld [smem:$0x3FAE]  }
0x2a: {  	p0 =	seq.s32 s5, $0x0;
	s5 =	sld [smem:$0x3FAF]  }
0x2b: {  	s6 =	sld [smem:$0x3FB0]  }
0x2c: {  	s7 =	sld [smem:$0x3FB1]  }
0x2d: {  	s3 =	simm.s32 $0x108;
	s8 =	sld [smem:$0x3FB2]  }
0x2e: {  	s3 =	simm.s32 @!p0 $0x1082;
	s9 =	sld [smem:$0x3FB3]  }
0x2f: {  	lr =	sadd.s32 s0, s3;
	s0 =	sld [smem:$0x3FAA]  }
0x30: {  	s3 =	sld [smem:$0x3FAD]  }
0x31: {  	[smem:$0x3FB6] =	sst s10  }
0x32: {  	s10 =	sld [smem:$0x3FB4];
	_ =	sdelay $0x3  }
0x33: {  	p0 =	seq.s32 s10, $0x1;
	s10 =	sld [smem:$0x3FB6];
	_ =	sdelay $0x3  }
0x34: {  	[smem:$0x3FB6] =	sst s10  }
0x35: {  	s10 =	sld [smem:$0x3FB5];
	_ =	sdelay $0x3  }
0x36: {  	p1 =	seq.s32 s10, $0x1;
	s10 =	sld [smem:$0x3FB6];
	_ =	sdelay $0x3  }
0x37: {  	[smem:$0x3FB6] =	sst s10  }
0x38: {  	s10 =	sld [smem:$0x3FB7]  }
0x39: {  	_ = 	snop;
	(pc) =	sbr.ind lr, $3  }
0x3a: {  	_ = 	snop  }
0x3b: {  	_ = 	snop  }
0x3c: {  	p2 =	seq.s32 s10, $0x1;
	s10 =	sld [smem:$0x3FB6]  }
0x3d: {  	_ =	shalt  }
0x3e: {  	_ =	shalt  }
0x3f: {  	_ =	shalt  }
0x40: {  	_ =	shalt  }
0x41: {  	_ =	shalt  }
0x42: {  	_ =	shalt  }
0x43: {  	_ =	shalt  }
0x44: {  	_ =	shalt  }
0x45: {  	_ =	shalt  }
0x46: {  	_ =	shalt  }
0x47: {  	_ =	shalt  }
0x48: {  	_ =	shalt  }
0x49: {  	_ =	shalt  }
0x4a: {  	_ =	shalt  }
0x4b: {  	_ =	shalt  }
0x4c: {  	_ =	shalt  }
0x4d: {  	_ =	shalt  }
0x4e: {  	_ =	shalt  }
0x4f: {  	_ =	shalt  }
0x50: {  	_ =	shalt  }
0x51: {  	_ =	shalt  }
0x52: {  	_ =	shalt  }
0x53: {  	_ =	shalt  }
0x54: {  	_ =	shalt  }
0x55: {  	_ =	shalt  }
0x56: {  	_ =	shalt  }
0x57: {  	_ =	shalt  }
0x58: {  	_ =	shalt  }
0x59: {  	_ =	shalt  }
0x5a: {  	_ =	shalt  }
0x5b: {  	_ =	shalt  }
0x5c: {  	_ =	shalt  }
0x5d: {  	_ =	shalt  }
0x5e: {  	_ =	shalt  }
0x5f: {  	_ =	shalt  }
0x60: {  	_ =	shalt  }
0x61: {  	_ =	shalt  }
0x62: {  	_ =	shalt  }
0x63: {  	_ =	shalt  }
0x64: {  	_ =	shalt  }
0x65: {  	_ =	shalt  }
0x66: {  	_ =	shalt  }
0x67: {  	_ =	shalt  }
0x68: {  	_ =	shalt  }
0x69: {  	_ =	shalt  }
0x6a: {  	_ =	shalt  }
0x6b: {  	_ =	shalt  }
0x6c: {  	_ =	shalt  }
0x6d: {  	_ =	shalt  }
0x6e: {  	_ =	shalt  }
0x6f: {  	_ =	shalt  }
0x70: {  	_ =	shalt  }
0x71: {  	_ =	shalt  }
0x72: {  	_ =	shalt  }
0x73: {  	_ =	shalt  }
0x74: {  	_ =	shalt  }
0x75: {  	_ =	shalt  }
0x76: {  	_ =	shalt  }
0x77: {  	_ =	shalt  }
0x78: {  	_ =	shalt  }
0x79: {  	_ =	shalt  }
0x7a: {  	_ =	shalt  }
0x7b: {  	_ =	shalt  }
0x7c: {  	_ =	shalt  }
0x7d: {  	_ =	shalt  }
0x7e: {  	_ =	shalt  }
0x7f: {  	_ =	shalt  }
0x80: {  	_ =	shalt  }
0x81: {  	_ =	shalt  }
0x82: {  	_ =	shalt  }
0x83: {  	_ =	shalt  }
0x84: {  	_ =	shalt  }
0x85: {  	_ =	shalt  }
0x86: {  	_ =	shalt  }
0x87: {  	_ =	shalt  }
.Lfunc_end0:
.L_simem_size_0:
called_computation_lowered:
.L_overlay_start_0:
0x88: {  	s2 =	sld [smem:$0x3FD9]  }
0x89: {  	s3 =	sld [smem:$0x3FFE];
	_ =	sdelay $0x1  }
0x8a: {  	s1 =	srdreg.scid  }
0x8b: {  	s0 =	sand.u32 $0x1, s1  }
0x8c: {  	s15 =	sshll.u32 s0, $0xA;
	s2 =	sadd.s32 s3, s2  }
0x8d: {  	s2 =	sadd.s32 s2, s15  }
0x8e: {  	[smem:$0x3FC2] =	sst s2  }
0x8f: {  	_ = 	snop  }
0x90: {  	s2 =	sld [smem:$0x3FD0]  }
0x91: {  	s16 =	sld [smem:$0x3FC9]  }
0x92: {  	s4 =	sld [smem:$0x3FC8]  }
0x93: {  	s6 =	simm.s32 $0xA;
	s7 =	simm.s32 $0x10;
	s5 =	sld [smem:$0x3FC7]  }
0x94: {  	[smem:s7], [sflag:s6] =	dma.local [hbm:s2], $0x1  }
0x95: {  	_ =	swait.eq [sflag:s6], $0x1  }
0x96: {  	[sflag:s6] =	ssyncset.done $0x0  }
0x97: {  	s17 =	sld [smem:$0x10];
	[sflag:s6] =	ssyncadd.s32 $0xFFFFFFFF  }
0x98: {  	s18 =	sld [smem:$0x11];
	(tm) =	ssettm $0x1  }
0x99: {  	s19 =	sld [smem:$0x3FFB];
	_ =	sdelay $0x3  }
0x9a: {  	_ =	strace s19  }
0x9b: {  	s7 =	sld [smem:$0x3FFC];
	_ =	sdelay $0x3  }
0x9c: {  	_ =	strace s7  }
0x9d: {  	s7 =	sld [smem:$0x3FFD];
	_ =	sdelay $0x3  }
0x9e: {  	_ =	strace s7  }
0x9f: {  	_ =	strace $0x8FFFFFFF  }
0xa0: {  	s20 =	sld [smem:$0x3FDB];
	_ =	sdelay $0x1  }
0xa1: {  	s8 =	simm.s32 $_scs_section_size  }
0xa2: {  	s9 =	simm.s32 $_size__tile_overlayer_lowered;
	s10 =	simm.s32 $_tile_overlayer_lowered  }
0xa3: {  	s23 =	simm.s32 $0x1BFF;
	s22 =	sshll.u32 s10, $0x1;
	s7 =	sadd.s32 s8, s20  }
0xa4: {  	s11 =	simm.s32 $0x0;
	s21 =	sshll.u32 s9, $0x1;
	s9 =	sadd.s32 s22, s7  }
0xa5: {  	[timem:s11], [sflag:s23] =	dma.local [hbm:s9], s21  }
0xa6: {  	_ =	swait.ge [sflag:s23], s21  }
0xa7: {  	s8 =	ssub.s32 $0x0, s21;
	[sflag:s23] =	ssyncset.done $0x0  }
0xa8: {  	[sflag:s23] =	ssyncadd.s32 s8;
	_ =	sdelay $0x1  }
0xa9: {  	s24 =	simm.s32 $0x1B8B  }
0xaa: {  	_ =	swait.ge [sflag:s24], $0x1  }
0xab: {  	[sflag:s24] =	ssyncset.done $0x0  }
0xac: {  	s25 =	simm.s32 $0x1B8E;
	[sflag:s24] =	ssyncadd.s32 $0xFFFFFFFF  }
0xad: {  	s26 =	simm.s32 $execute0_lowered;
	[smem:$0x3FD2] =	sst s25  }
0xae: {  	s8 =	sshll.u32 s26, $0x1;
	_ =	strace $0x80000046;
	[dreg:$0x1] =	wrdreg $0xFFFFFFFF  }
0xaf: {  	s28 =	simm.s32 $_size_execute0_lowered;
	s7 =	sadd.s32 s7, s8;
	[dreg:$0x0] =	wrdreg $0x0  }
0xb0: {  	s8 =	sshll.u32 s28, $0x1;
	[dreg:$0x2] =	wrdreg s7  }
0xb1: {  	[dreg:$0x3] =	wrdreg s8  }
0xb2: {  	[dreg:$0x4] =	wrdreg $0xC0  }
0xb3: {  	_ =	task [dreg:s11], $0x5FFFF  }
0xb4: {  	[dreg:$0x1] =	wrdreg $0xFFFFFFFF  }
0xb5: {  	[dreg:$0x0] =	wrdreg $0x60  }
0xb6: {  	[dreg:$0x2] =	wrdreg s16  }
0xb7: {  	[dreg:$0x3] =	wrdreg s4  }
0xb8: {  	[dreg:$0x4] =	wrdreg s5  }
0xb9: {  	[dreg:$0x5] =	wrdreg s17  }
0xba: {  	[dreg:$0x6] =	wrdreg s18  }
0xbb: {  	[dreg:$0x7] =	wrdreg $0x9  }
0xbc: {  	_ =	task.clear_ibuf [dreg:s11], $0x8FFFF;
	_ =	strace $0x90000046  }
0xbd: {  	s29 =	simm.s32 $0x9;
	_ =	strace $0x80000048  }
0xbe: {  	_ =	swait.ge [sflag:s29], $0x1  }
0xbf: {  	[sflag:s29] =	ssyncadd.s32 $0xFFFFFFFF  }
0xc0: {  	_ =	strace $0x90000048  }
0xc1: {  	_ =	sfence  }
0xc2: {  	s30 =	sld [smem:$0x0];
	_ =	sdelay $0x2  }
0xc3: {  	s31 =	sshll.u32 s1, $0xD;
	s1 =	sshrl.u32 s1, $0x2  }
0xc4: {  	s3 =	sand.u32 $0x4000, s31;
	s1 =	sadd.s32 s1, s30  }
0xc5: {  	s0 =	sor.u32 s3, s0;
	s1 =	sshll.u32 s1, $0x11  }
0xc6: {  	s0 =	sor.u32 s1, s0  }
0xc7: {  	s0 =	sadd.s32 $0x8F2B, s0  }
0xc8: {  	[sflag:s0] =	ssyncadd.remote.s32 $0x1  }
0xc9: {  	_ =	sfence.sel $0xFFFF  }
0xca: {  	[dreg:$0x0] =	wrdreg $0xFFFFFFFF;
	(pc) =	sbr.abs _section_cstart, $3  }
0xcb: {  	[dreg:$0x1] =	wrdreg $0xFFFFFFFF  }
0xcc: {  	_ =	task.clear_ibuf [dreg:s11], $0x2FFFF;
	_ =	strace $0x9FFFFFFF  }
0xcd: {  	(tm) =	ssettm $0x7FFFFFFF  }
tec
execute0_lowered:
.L_overlay_start_1:
0x0: {  	(tag) =	ssettag $0x1  }
0x1: {  	s5 =	rddreg [dreg:$0x0]  }
0x2: {  	s1 =	rddreg [dreg:$0x1]  }
0x3: {  	s2 =	rddreg [dreg:$0x2];
	s3 =	srdreg.scid  }
0x4: {  	s19 =	rddreg [dreg:$0x3];
	s0 =	stileid.u32;
	s22 =	sand.u32 $0x1, s3  }
0x5: {  	s21 =	rddreg [dreg:$0x4];
	s6 =	sshll.u32 s0, $0xA;
	s7 =	sshll.u32 s22, $0x9  }
0x6: {  	s4 =	simm.s32 $0x0;
	s3 =	rddreg [dreg:$0x5];
	s20 =	sor.u32 s7, s6  }
0x7: {  	[smem:$0x7FF] =	sst s4;
	s23 =	sshrl.u32 s20, $0x3  }
0x8: {  	_ =	strace $0x80000047;
	s6 =	sadd.s32 s5, s23;
	s5 =	simm.s32 $0x3  }
0x9: {  	[tilespmem:s4], [sflag:$0x3] =	stream.linear.gather [hbm4b:s6+s4], $0x200, $0x38;
	[tilespmem:$0x10400] =	vst v63  }
0xa: {  	_ =	swait.ge [sflag:s5], $0x200  }
0xb: {  	[sflag:s5] =	ssyncset.done $0x0  }
0xc: {  	s8 =	simm.s32 $0x200;
	s7 =	simm.s32 $0x80;
	[sflag:s5] =	ssyncadd.s32 $0xFFFFFE00  }
0xd: {  	[tilespmem:s8], [sflag:$0x1] =	stream.indirect.gather [hbm4b:s1+s7], $0x80, s4, s7, $0xb8;
	[tilespmem:$0x10400] =	vst v63  }
0xe: {  	s9 =	simm.s32 $0x10200  }
0xf: {  	[tilespmem:s9], [sflag:$0x2] =	stream.indirect.gather [hbm4b:s2+s7], $0x1, s4, s7, $0xb8;
	[tilespmem:$0x10400] =	vst v63  }
0x10: {  	s10 =	simm.s32 $0x4200  }
0x11: {  	[tilespmem:s10], [sflag:$0x1] =	stream.indirect.gather [hbm4b:s1+s7], $0x80, s7, s7, $0xb8;
	[tilespmem:$0x10400] =	vst v63  }
0x12: {  	s11 =	simm.s32 $0x10280  }
0x13: {  	[tilespmem:s11], [sflag:$0x2] =	stream.indirect.gather [hbm4b:s2+s7], $0x1, s7, s7, $0xb8;
	[tilespmem:$0x10400] =	vst v63  }
0x14: {  	s12 =	simm.s32 $0x100;
	s13 =	simm.s32 $0x8200  }
0x15: {  	[tilespmem:s13], [sflag:$0x1] =	stream.indirect.gather [hbm4b:s1+s7], $0x80, s12, s7, $0xb8;
	[tilespmem:$0x10400] =	vst v63  }
0x16: {  	s14 =	simm.s32 $0x10300  }
0x17: {  	[tilespmem:s14], [sflag:$0x2] =	stream.indirect.gather [hbm4b:s2+s7], $0x1, s12, s7, $0xb8;
	[tilespmem:$0x10400] =	vst v63  }
0x18: {  	s15 =	simm.s32 $0x180;
	s16 =	simm.s32 $0xC200  }
0x19: {  	[tilespmem:s16], [sflag:$0x1] =	stream.indirect.gather [hbm4b:s1+s7], $0x80, s15, s7, $0xb8;
	[tilespmem:$0x10400] =	vst v63  }
0x1a: {  	s17 =	simm.s32 $0x10380;
	s18 =	simm.s32 $0x1  }
0x1b: {  	[tilespmem:s17], [sflag:$0x2] =	stream.indirect.gather [hbm4b:s2+s7], $0x1, s15, s7, $0xb8;
	[tilespmem:$0x10400] =	vst v63  }
0x1c: {  	_ =	swait.ge [sflag:s18], $0x4000  }
0x1d: {  	[sflag:s18] =	ssyncset.done $0x0  }
0x1e: {  	[sflag:s18] =	ssyncadd.s32 $0xFFFFC000  }
0x1f: {  	_ =	swait.ge [sflag:s18], $0x4000  }
0x20: {  	[sflag:s18] =	ssyncset.done $0x0  }
0x21: {  	[sflag:s18] =	ssyncadd.s32 $0xFFFFC000  }
0x22: {  	_ =	swait.ge [sflag:s18], $0x4000  }
0x23: {  	[sflag:s18] =	ssyncset.done $0x0  }
0x24: {  	[sflag:s18] =	ssyncadd.s32 $0xFFFFC000  }
0x25: {  	_ =	swait.ge [sflag:s18], $0x4000  }
0x26: {  	s20 =	sshll.u32 s20, $0x4;
	[sflag:s18] =	ssyncset.done $0x0  }
0x27: {  	s19 =	sadd.s32 s19, s20;
	[sflag:s18] =	ssyncadd.s32 $0xFFFFC000  }
0x28: {  	[hbm4b:s19+s4] =	stream.linear.scatter [tilespmem:s8], [sflag:$0x3], $0x10000, $0x38;
	[tilespmem:$0x10400] =	vst v63  }
0x29: {  	_ =	swait.ge [sflag:s5], $0x10000  }
0x2a: {  	[sflag:s5] =	ssyncset.done $0x0  }
0x2b: {  	s20 =	simm.s32 $0x2;
	[sflag:s5] =	ssyncadd.s32 $0xFFFF0000  }
0x2c: {  	_ =	swait.ge [sflag:s20], $0x80  }
0x2d: {  	[sflag:s20] =	ssyncset.done $0x0  }
0x2e: {  	[sflag:s20] =	ssyncadd.s32 $0xFFFFFF80  }
0x2f: {  	_ =	swait.ge [sflag:s20], $0x80  }
0x30: {  	[sflag:s20] =	ssyncset.done $0x0  }
0x31: {  	s22 =	ssub.s32 $0x2, s22;
	[sflag:s20] =	ssyncadd.s32 $0xFFFFFF80  }
0x32: {  	s24 =	sshrl.u32 s22, $0x1;
	_ =	swait.ge [sflag:s20], $0x80  }
0x33: {  	s22 =	ssub.s32 s22, s24;
	[sflag:s20] =	ssyncset.done $0x0  }
0x34: {  	s22 =	smax.u32 s22, $0x1;
	[sflag:s20] =	ssyncadd.s32 $0xFFFFFF80  }
0x35: {  	p0 =	sne.s32 s22, $0x1;
	_ =	swait.ge [sflag:s20], $0x80  }
.Ltmp0:
0x36: {  	[sflag:s20] =	ssyncset.done $0x0;
	(pc) =	sbr.rel @!p0 .LBB2_2-.Ltmp0, $4  }
0x37: {  	s21 =	sadd.s32 s21, s23;
	[sflag:s20] =	ssyncadd.s32 $0xFFFFFF80  }
0x38: {  	[hbm4b:s21+s4] =	stream.linear.scatter [tilespmem:s9], [sflag:$0x3], $0x200, $0x38;
	[tilespmem:$0x10400] =	vst v63  }
0x39: {  	_ =	swait.ge [sflag:s5], $0x200  }
0x3a: {  	s22 =	sadd.s32 $0xFFFFFFFF, s22;
	[sflag:s5] =	ssyncset.done $0x0  }
.LBB2_1:
0x3b: {  	p0 =	sne.s32 s22, $0x1;
	s22 =	sadd.s32 $0xFFFFFFFF, s22;
	[sflag:s5] =	ssyncadd.s32 $0xFFFFFE00  }
0x3c: {  	[tilespmem:s4], [sflag:$0x3] =	stream.linear.gather [hbm4b:s6+s4], $0x200, $0x38;
	[tilespmem:$0x10400] =	vst v63  }
0x3d: {  	_ =	swait.ge [sflag:s5], $0x200  }
0x3e: {  	[sflag:s5] =	ssyncset.done $0x0  }
0x3f: {  	[sflag:s5] =	ssyncadd.s32 $0xFFFFFE00  }
0x40: {  	[tilespmem:s8], [sflag:$0x1] =	stream.indirect.gather [hbm4b:s1+s7], $0x80, s4, s7, $0xb8;
	[tilespmem:$0x10400] =	vst v63  }
0x41: {  	_ = 	snop  }
0x42: {  	[tilespmem:s9], [sflag:$0x2] =	stream.indirect.gather [hbm4b:s2+s7], $0x1, s4, s7, $0xb8;
	[tilespmem:$0x10400] =	vst v63  }
0x43: {  	_ = 	snop  }
0x44: {  	[tilespmem:s10], [sflag:$0x1] =	stream.indirect.gather [hbm4b:s1+s7], $0x80, s7, s7, $0xb8;
	[tilespmem:$0x10400] =	vst v63  }
0x45: {  	_ = 	snop  }
0x46: {  	[tilespmem:s11], [sflag:$0x2] =	stream.indirect.gather [hbm4b:s2+s7], $0x1, s7, s7, $0xb8;
	[tilespmem:$0x10400] =	vst v63  }
0x47: {  	_ = 	snop  }
0x48: {  	[tilespmem:s13], [sflag:$0x1] =	stream.indirect.gather [hbm4b:s1+s7], $0x80, s12, s7, $0xb8;
	[tilespmem:$0x10400] =	vst v63  }
0x49: {  	_ = 	snop  }
0x4a: {  	[tilespmem:s14], [sflag:$0x2] =	stream.indirect.gather [hbm4b:s2+s7], $0x1, s12, s7, $0xb8;
	[tilespmem:$0x10400] =	vst v63  }
0x4b: {  	_ = 	snop  }
0x4c: {  	[tilespmem:s16], [sflag:$0x1] =	stream.indirect.gather [hbm4b:s1+s7], $0x80, s15, s7, $0xb8;
	[tilespmem:$0x10400] =	vst v63  }
0x4d: {  	_ = 	snop  }
0x4e: {  	[tilespmem:s17], [sflag:$0x2] =	stream.indirect.gather [hbm4b:s2+s7], $0x1, s15, s7, $0xb8;
	[tilespmem:$0x10400] =	vst v63  }
0x4f: {  	_ =	swait.ge [sflag:s18], $0x4000  }
0x50: {  	[sflag:s18] =	ssyncset.done $0x0  }
0x51: {  	[sflag:s18] =	ssyncadd.s32 $0xFFFFC000  }
0x52: {  	_ =	swait.ge [sflag:s18], $0x4000  }
0x53: {  	[sflag:s18] =	ssyncset.done $0x0  }
0x54: {  	[sflag:s18] =	ssyncadd.s32 $0xFFFFC000  }
0x55: {  	_ =	swait.ge [sflag:s18], $0x4000  }
0x56: {  	[sflag:s18] =	ssyncset.done $0x0  }
0x57: {  	[sflag:s18] =	ssyncadd.s32 $0xFFFFC000  }
0x58: {  	_ =	swait.ge [sflag:s18], $0x4000  }
0x59: {  	[sflag:s18] =	ssyncset.done $0x0  }
0x5a: {  	[sflag:s18] =	ssyncadd.s32 $0xFFFFC000  }
0x5b: {  	[hbm4b:s19+s4] =	stream.linear.scatter [tilespmem:s8], [sflag:$0x3], $0x10000, $0x38;
	[tilespmem:$0x10400] =	vst v63  }
0x5c: {  	_ =	swait.ge [sflag:s5], $0x10000  }
0x5d: {  	[sflag:s5] =	ssyncset.done $0x0  }
0x5e: {  	[sflag:s5] =	ssyncadd.s32 $0xFFFF0000  }
0x5f: {  	_ =	swait.ge [sflag:s20], $0x80  }
0x60: {  	[sflag:s20] =	ssyncset.done $0x0  }
0x61: {  	[sflag:s20] =	ssyncadd.s32 $0xFFFFFF80  }
0x62: {  	_ =	swait.ge [sflag:s20], $0x80  }
0x63: {  	[sflag:s20] =	ssyncset.done $0x0  }
0x64: {  	[sflag:s20] =	ssyncadd.s32 $0xFFFFFF80  }
0x65: {  	_ =	swait.ge [sflag:s20], $0x80  }
0x66: {  	[sflag:s20] =	ssyncset.done $0x0  }
0x67: {  	[sflag:s20] =	ssyncadd.s32 $0xFFFFFF80  }
0x68: {  	_ =	swait.ge [sflag:s20], $0x80  }
.Ltmp1:
0x69: {  	[sflag:s20] =	ssyncset.done $0x0;
	(pc) =	sbr.rel @p0 .LBB2_1-.Ltmp1, $4  }
0x6a: {  	[sflag:s20] =	ssyncadd.s32 $0xFFFFFF80  }
0x6b: {  	[hbm4b:s21+s4] =	stream.linear.scatter [tilespmem:s9], [sflag:$0x3], $0x200, $0x38;
	[tilespmem:$0x10400] =	vst v63  }
0x6c: {  	_ =	swait.ge [sflag:s5], $0x200  }
0x6d: {  	[sflag:s5] =	ssyncset.done $0x0  }
.LBB2_2:
0x6e: {  	[sflag:s5] =	ssyncadd.s32 $0xFFFFFE00  }
0x6f: {  	_ =	sfence.sel $0x180000  }
0x70: {  	[bflag:$0x0] =	sbarrier.arrive $0xFFFF  }
0x71: {  	p0 =	sne.s32 s0, $0x0;
	_ =	strace $0x90000047  }
0x72: {  	s0 =	sadd.s32 @!p0 $0x100000, s3;
	[bflag:$0x2] =	sbarrier.arrive $0xFFFF  }
0x73: {  	[sflag:s0] =	ssyncadd.tile.s32 @!p0 $0x1;
	_ =	shalt  }
.Lfunc_end2:
_tile_overlayer_lowered:
.L_overlay_start_2:
0x74: {  	(tag) =	ssettag $0x2  }
0x75: {  	s0 =	rddreg [dreg:$0x0];
	s2 =	stileid.u32  }
0x76: {  	s1 =	rddreg [dreg:$0x1];
	p0 =	sne.s32 s2, $0x0  }
0x77: {  	s3 =	rddreg [dreg:$0x2];
	[bflag:$0x3] =	sbarrier.arrive $0xFFFF;
	s2 =	simm.s32 @!p0 $0x1C03  }
0x78: {  	[timem:s3], [sflag:s2] =	dma.local @!p0 [hbm:s0], s1  }
0x79: {  	s0 =	simm.s32 @!p0 $0x3  }
0x7a: {  	_ =	swait.ge @!p0 [sflag:s0], s1  }
0x7b: {  	s1 =	ssub.s32 @!p0 $0x0, s1;
	[sflag:s0] =	ssyncset.done @!p0 $0x0  }
0x7c: {  	[sflag:s0] =	ssyncadd.s32 @!p0 s1  }
0x7d: {  	[bflag:$0x3] =	sbarrier.arrive $0xFFFF  }
0x7e: {  	_ =	shalt  }

</sc_bundles>
